<compile_context>
chip_gen: v7x
topology: tpu7x:2x2x1
jax: 0.10.2.dev20260603
libtpu: 0.0.44.dev20260713+nightly
codegen_flags: <defaults>
</compile_context>

<pallas_src>
import jax
import jax.numpy as jnp
from jax import lax
from jax.experimental import pallas as pl
from jax.experimental.pallas import tpu as pltpu
from jax.experimental.pallas import tpu_sc as plsc

_NUM_NODES = 110000
_NUM_PINS = 3200000
_NW = 32
_PPW = _NUM_PINS // _NW
_C = 20000
_NCH = _PPW // _C
_L = 16
_W = 8192


def _body(nx_hbm, ny_hbm, offx_hbm, offy_hbm, p2n_hbm, out_hbm,
          winx, winy, idx_v, offx_v, offy_v, bufx, bufy,
          tiny_v, semx, semy, semz):
  wid = lax.axis_index("s") * 2 + lax.axis_index("c")
  wbase = wid * _PPW

  pltpu.sync_copy(p2n_hbm.at[pl.ds(wbase, _L)], tiny_v)
  m0s = jnp.min(tiny_v[...])
  pltpu.sync_copy(p2n_hbm.at[pl.ds(wbase + _PPW - _L, _L)], tiny_v)
  m1 = jnp.max(tiny_v[...])
  m0 = pl.multiple_of(jnp.bitwise_and(m0s, jnp.int32(-8)), 8)
  wide = (m1 - m0) >= _W

  wx = pltpu.async_copy(nx_hbm.at[pl.ds(m0, _W)], winx, semx)
  wy = pltpu.async_copy(ny_hbm.at[pl.ds(m0, _W)], winy, semy)
  wx.wait()
  wy.wait()
  mvec = jnp.full((_L,), m0, jnp.int32)

  def chunk(i, carry):
    base = wbase + i * _C
    i0 = pltpu.async_copy(p2n_hbm.at[pl.ds(base, _C)], idx_v, semx)
    i1 = pltpu.async_copy(offx_hbm.at[pl.ds(base, _C)], offx_v, semy)
    i2 = pltpu.async_copy(offy_hbm.at[pl.ds(base, _C)], offy_v, semz)
    i0.wait()
    i1.wait()
    i2.wait()

    @pl.when(jnp.logical_not(wide))
    def _fast():
      @plsc.parallel_loop(0, _C, _L, unroll=8)
      def _g(j):
        s = pl.ds(j, _L)
        li = idx_v[s] - mvec
        bufx[s] = plsc.load_gather(winx, [li]) + offx_v[s]
        bufy[s] = plsc.load_gather(winy, [li]) + offy_v[s]

    @pl.when(wide)
    def _slow():
      pltpu.async_copy(nx_hbm.at[idx_v], bufx, semx).wait()
      pltpu.async_copy(ny_hbm.at[idx_v], bufy, semy).wait()

      @plsc.parallel_loop(0, _C, _L, unroll=8)
      def _a(j):
        s = pl.ds(j, _L)
        bufx[s] = bufx[s] + offx_v[s]
        bufy[s] = bufy[s] + offy_v[s]

    ox = pltpu.async_copy(bufx, out_hbm.at[pl.ds(base, _C)], semx)
    oy = pltpu.async_copy(bufy, out_hbm.at[pl.ds(_NUM_PINS + base, _C)], semy)
    ox.wait()
    oy.wait()
    return carry

  lax.fori_loop(0, _NCH, chunk, None)


@jax.jit
def kernel(pos, pin_offset_x, pin_offset_y, pin2node_map,
           flat_node2pin_map, flat_node2pin_start_map):
  del flat_node2pin_map, flat_node2pin_start_map
  node_x = pos[:_NUM_NODES]
  node_y = pos[_NUM_NODES:]
  mesh = plsc.VectorSubcoreMesh(core_axis_name="c", subcore_axis_name="s")
  run = pl.kernel(
      _body,
      out_type=jax.ShapeDtypeStruct((2 * _NUM_PINS,), jnp.float32),
      mesh=mesh,
      compiler_params=pltpu.CompilerParams(needs_layout_passes=False),
      scratch_types=[
          pltpu.VMEM((_W,), jnp.float32),
          pltpu.VMEM((_W,), jnp.float32),
          pltpu.VMEM((_C,), jnp.int32),
          pltpu.VMEM((_C,), jnp.float32),
          pltpu.VMEM((_C,), jnp.float32),
          pltpu.VMEM((_C,), jnp.float32),
          pltpu.VMEM((_C,), jnp.float32),
          pltpu.VMEM((_L,), jnp.int32),
          pltpu.SemaphoreType.DMA,
          pltpu.SemaphoreType.DMA,
          pltpu.SemaphoreType.DMA,
      ],
  )
  return run(node_x, node_y, pin_offset_x, pin_offset_y, pin2node_map)

# --- scband reference (transcript-rebuilt; emitter-appended) ---
"""Pipeline reference for scband-pin-pos-70214125355241 (READ-ONLY COPY).

The authoritative reference and input builder live on the scoring server;
editing this copy changes nothing except your own understanding.
"""

import jax, jax.numpy as jnp
import numpy as np

NUM_NODES = 110000        # physical + filler nodes; pos has 2*NUM_NODES entries (x then y)
NUM_PHYSICAL = 100000     # only physical nodes carry pins
NUM_PINS = 3200000


def setup_inputs(seed: int = 0) -> dict:
    key = jax.random.key(seed)
    k1, k2, k3, k4 = jax.random.split(key, 4)
    pos = jax.random.normal(k1, (2 * NUM_NODES,), dtype=jnp.float32) * 100.0
    pin_offset_x = jax.random.uniform(k2, (NUM_PINS,), dtype=jnp.float32) * 4.0
    pin_offset_y = jax.random.uniform(k3, (NUM_PINS,), dtype=jnp.float32) * 4.0
    # sorted pin->node map so each node's pins are contiguous (CSR-consistent)
    pin2node_map = jnp.sort(jax.random.randint(k4, (NUM_PINS,), 0, NUM_PHYSICAL, dtype=jnp.int32))
    # since pin2node_map is sorted, the flat node->pin map is the identity permutation
    flat_node2pin_map = jnp.arange(NUM_PINS, dtype=jnp.int32)
    # CSR start offsets consistent with pin2node_map
    flat_node2pin_start_map = jnp.searchsorted(pin2node_map, jnp.arange(NUM_PHYSICAL + 1, dtype=jnp.int32)).astype(jnp.int32)
    return {
        "pos": pos,
        "pin_offset_x": pin_offset_x,
        "pin_offset_y": pin_offset_y,
        "pin2node_map": pin2node_map,
        "flat_node2pin_map": flat_node2pin_map,
        "flat_node2pin_start_map": flat_node2pin_start_map,
    }


def reference(pos, pin_offset_x, pin_offset_y, pin2node_map, flat_node2pin_map, flat_node2pin_start_map):
    # Faithful translation of PinPos forward (CPU path, theta=0 since orient_logits is None):
    # pin_x[p] = pos_x[pin2node_map[p]] + pin_offset_x[p]
    # pin_y[p] = pos_y[pin2node_map[p]] + pin_offset_y[p]
    # output layout mirrors pos: all pin x locations then all pin y locations.
    p = pos.reshape(-1)
    num_nodes = p.shape[0] // 2
    node_x = p[:num_nodes]
    node_y = p[num_nodes:]
    pin_x = jnp.take(node_x, pin2node_map, axis=0) + pin_offset_x
    pin_y = jnp.take(node_y, pin2node_map, axis=0) + pin_offset_y
    return jnp.concatenate([pin_x, pin_y], axis=0)

if __name__ == "__main__":
    import jax
    _d = setup_inputs()
    print(jax.jit(kernel)(*tuple(_d.values())))

</pallas_src>

<mosaic_0001>
#map = affine_map<(d0, d1) -> (0)>
module attributes {stable_mosaic.version = 14 : i64} {
  func.func @_body(%arg0: i32, %arg1: i32, %arg2: memref<110000xf32, #tpu.memory_space<hbm>>, %arg3: memref<110000xf32, #tpu.memory_space<hbm>>, %arg4: memref<3200000xf32, #tpu.memory_space<hbm>>, %arg5: memref<3200000xf32, #tpu.memory_space<hbm>>, %arg6: memref<3200000xi32, #tpu.memory_space<hbm>>, %arg7: memref<6400000xf32, #tpu.memory_space<hbm>>, %arg8: memref<8192xf32, #tpu.memory_space<vmem>>, %arg9: memref<8192xf32, #tpu.memory_space<vmem>>, %arg10: memref<20000xi32, #tpu.memory_space<vmem>>, %arg11: memref<20000xf32, #tpu.memory_space<vmem>>, %arg12: memref<20000xf32, #tpu.memory_space<vmem>>, %arg13: memref<20000xf32, #tpu.memory_space<vmem>>, %arg14: memref<20000xf32, #tpu.memory_space<vmem>>, %arg15: memref<16xi32, #tpu.memory_space<vmem>>, %arg16: memref<!tpu.dma_semaphore, #tpu.memory_space<semaphore_mem>>, %arg17: memref<!tpu.dma_semaphore, #tpu.memory_space<semaphore_mem>>, %arg18: memref<!tpu.dma_semaphore, #tpu.memory_space<semaphore_mem>>) attributes {dimension_semantics = [#tpu.dimension_semantics<core_parallel>, #tpu.dimension_semantics<subcore_parallel>], iteration_bounds = array<i64: 2, 16>, scalar_prefetch = 0 : i64, scratch_operands = 11 : i64, tpu.core_type = #tpu.core_type<sc_vector_subcore>, window_params = [{transform_indices = #map}, {transform_indices = #map}, {transform_indices = #map}, {transform_indices = #map}, {transform_indices = #map}, {transform_indices = #map}]} {
    %mul3A = arith.constant 2 : i32
    %mul3A_0 = arith.muli %arg1, %mul3A : i32
    %add3A = arith.addi %mul3A_0, %arg0 : i32
    %mul3A_1 = arith.constant 100000 : i32
    %mul3A_2 = arith.muli %add3A, %mul3A_1 : i32
    "tpu.region"() ({
      %run_scoped3A = tpu.sem_alloc : memref<!tpu.dma_semaphore, #tpu.memory_space<semaphore_mem>>
      %dma_start3A_36 = tpu.memref_slice %arg6[%mul3A_2] : memref<3200000xi32, #tpu.memory_space<hbm>> -> memref<16xi32, #tpu.memory_space<hbm>>
      %dma_start3A_37 = tpu.memref_slice %arg6[%mul3A_2] : memref<3200000xi32, #tpu.memory_space<hbm>> -> memref<16xi32, #tpu.memory_space<hbm>>
      tpu.enqueue_dma source(%dma_start3A_37 : memref<16xi32, #tpu.memory_space<hbm>>) target(%arg15 : memref<16xi32, #tpu.memory_space<vmem>>) target_semaphore(%run_scoped3A : memref<!tpu.dma_semaphore, #tpu.memory_space<semaphore_mem>>)
      %dma_wait3A_38 = tpu.memref_slice %arg6[%mul3A_2] : memref<3200000xi32, #tpu.memory_space<hbm>> -> memref<16xi32, #tpu.memory_space<hbm>>
      %dma_wait3A_39 = tpu.memref_slice %arg6[%mul3A_2] : memref<3200000xi32, #tpu.memory_space<hbm>> -> memref<16xi32, #tpu.memory_space<hbm>>
      tpu.wait_dma2 semaphore(%run_scoped3A : memref<!tpu.dma_semaphore, #tpu.memory_space<semaphore_mem>>) src(%dma_wait3A_39 : memref<16xi32, #tpu.memory_space<hbm>>) dst(%arg15 : memref<16xi32, #tpu.memory_space<vmem>>)
      tpu.yield
    }) : () -> ()
    %get3A = arith.constant 0 : index
    %get3A_3 = tpu.vector_load %arg15[%get3A] {strides = array<i32>} : memref<16xi32, #tpu.memory_space<vmem>>, vector<16xi32>,
    %reduce_min3A = arith.constant true
    %reduce_min3A_4 = vector.broadcast %reduce_min3A : i1 to vector<16xi1>
    %reduce_min3A_5 = arith.constant -2147483648 : i32
    %reduce_min3A_6 = vector.broadcast %reduce_min3A_5 : i32 to vector<16xi32>
    %reduce_min3A_7 = arith.xori %get3A_3, %reduce_min3A_6 : vector<16xi32>
    %reduce_min3A_8 = tpu.scan <min>, %reduce_min3A_7 masked %reduce_min3A_4 : vector<16xi32>, vector<16xi1> -> vector<16xi32>
    %reduce_min3A_9 = arith.xori %reduce_min3A_8, %reduce_min3A_6 : vector<16xi32>
    %reduce_min3A_10 = vector.extract %reduce_min3A_9[15] : i32 from vector<16xi32>
    %add3A_11 = arith.constant 100000 : i32
    %add3A_12 = arith.addi %mul3A_2, %add3A_11 : i32
    %sub3A = arith.constant 16 : i32
    %sub3A_13 = arith.subi %add3A_12, %sub3A : i32
    "tpu.region"() ({
      %run_scoped3A = tpu.sem_alloc : memref<!tpu.dma_semaphore, #tpu.memory_space<semaphore_mem>>
      %dma_start3A_36 = tpu.memref_slice %arg6[%sub3A_13] : memref<3200000xi32, #tpu.memory_space<hbm>> -> memref<16xi32, #tpu.memory_space<hbm>>
      %dma_start3A_37 = tpu.memref_slice %arg6[%sub3A_13] : memref<3200000xi32, #tpu.memory_space<hbm>> -> memref<16xi32, #tpu.memory_space<hbm>>
      tpu.enqueue_dma source(%dma_start3A_37 : memref<16xi32, #tpu.memory_space<hbm>>) target(%arg15 : memref<16xi32, #tpu.memory_space<vmem>>) target_semaphore(%run_scoped3A : memref<!tpu.dma_semaphore, #tpu.memory_space<semaphore_mem>>)
      %dma_wait3A_38 = tpu.memref_slice %arg6[%sub3A_13] : memref<3200000xi32, #tpu.memory_space<hbm>> -> memref<16xi32, #tpu.memory_space<hbm>>
      %dma_wait3A_39 = tpu.memref_slice %arg6[%sub3A_13] : memref<3200000xi32, #tpu.memory_space<hbm>> -> memref<16xi32, #tpu.memory_space<hbm>>
      tpu.wait_dma2 semaphore(%run_scoped3A : memref<!tpu.dma_semaphore, #tpu.memory_space<semaphore_mem>>) src(%dma_wait3A_39 : memref<16xi32, #tpu.memory_space<hbm>>) dst(%arg15 : memref<16xi32, #tpu.memory_space<vmem>>)
      tpu.yield
    }) : () -> ()
    %get3A_14 = arith.constant 0 : index
    %get3A_15 = tpu.vector_load %arg15[%get3A_14] {strides = array<i32>} : memref<16xi32, #tpu.memory_space<vmem>>, vector<16xi32>,
    %reduce_max3A = arith.constant true
    %reduce_max3A_16 = vector.broadcast %reduce_max3A : i1 to vector<16xi1>
    %reduce_max3A_17 = arith.constant -2147483648 : i32
    %reduce_max3A_18 = vector.broadcast %reduce_max3A_17 : i32 to vector<16xi32>
    %reduce_max3A_19 = arith.xori %get3A_15, %reduce_max3A_18 : vector<16xi32>
    %reduce_max3A_20 = tpu.scan <max>, %reduce_max3A_19 masked %reduce_max3A_16 : vector<16xi32>, vector<16xi1> -> vector<16xi32>
    %reduce_max3A_21 = arith.xori %reduce_max3A_20, %reduce_max3A_18 : vector<16xi32>
    %reduce_max3A_22 = vector.extract %reduce_max3A_21[15] : i32 from vector<16xi32>
    %and3A = arith.constant -8 : i32
    %and3A_23 = arith.andi %reduce_min3A_10, %and3A : i32
    %multiple_of3A = tpu.assume_multiple %and3A_23, 8 : i32
    %sub3A_24 = arith.subi %reduce_max3A_22, %multiple_of3A : i32
    %ge3A = arith.constant 8192 : i32
    %ge3A_25 = arith.cmpi sge, %sub3A_24, %ge3A : i32
    %dma_start3A = tpu.memref_slice %arg2[%multiple_of3A] : memref<110000xf32, #tpu.memory_space<hbm>> -> memref<8192xf32, #tpu.memory_space<hbm>>
    %dma_start3A_26 = tpu.memref_slice %arg2[%multiple_of3A] : memref<110000xf32, #tpu.memory_space<hbm>> -> memref<8192xf32, #tpu.memory_space<hbm>>
    tpu.enqueue_dma source(%dma_start3A_26 : memref<8192xf32, #tpu.memory_space<hbm>>) target(%arg8 : memref<8192xf32, #tpu.memory_space<vmem>>) target_semaphore(%arg16 : memref<!tpu.dma_semaphore, #tpu.memory_space<semaphore_mem>>)
    %dma_start3A_27 = tpu.memref_slice %arg3[%multiple_of3A] : memref<110000xf32, #tpu.memory_space<hbm>> -> memref<8192xf32, #tpu.memory_space<hbm>>
    %dma_start3A_28 = tpu.memref_slice %arg3[%multiple_of3A] : memref<110000xf32, #tpu.memory_space<hbm>> -> memref<8192xf32, #tpu.memory_space<hbm>>
    tpu.enqueue_dma source(%dma_start3A_28 : memref<8192xf32, #tpu.memory_space<hbm>>) target(%arg9 : memref<8192xf32, #tpu.memory_space<vmem>>) target_semaphore(%arg17 : memref<!tpu.dma_semaphore, #tpu.memory_space<semaphore_mem>>)
    %dma_wait3A = tpu.memref_slice %arg2[%multiple_of3A] : memref<110000xf32, #tpu.memory_space<hbm>> -> memref<8192xf32, #tpu.memory_space<hbm>>
    %dma_wait3A_29 = tpu.memref_slice %arg2[%multiple_of3A] : memref<110000xf32, #tpu.memory_space<hbm>> -> memref<8192xf32, #tpu.memory_space<hbm>>
    tpu.wait_dma2 semaphore(%arg16 : memref<!tpu.dma_semaphore, #tpu.memory_space<semaphore_mem>>) src(%dma_wait3A_29 : memref<8192xf32, #tpu.memory_space<hbm>>) dst(%arg8 : memref<8192xf32, #tpu.memory_space<vmem>>)
    %dma_wait3A_30 = tpu.memref_slice %arg3[%multiple_of3A] : memref<110000xf32, #tpu.memory_space<hbm>> -> memref<8192xf32, #tpu.memory_space<hbm>>
    %dma_wait3A_31 = tpu.memref_slice %arg3[%multiple_of3A] : memref<110000xf32, #tpu.memory_space<hbm>> -> memref<8192xf32, #tpu.memory_space<hbm>>
    tpu.wait_dma2 semaphore(%arg17 : memref<!tpu.dma_semaphore, #tpu.memory_space<semaphore_mem>>) src(%dma_wait3A_31 : memref<8192xf32, #tpu.memory_space<hbm>>) dst(%arg9 : memref<8192xf32, #tpu.memory_space<vmem>>)
    %broadcast_in_dim3A = vector.broadcast %multiple_of3A : i32 to vector<16xi32>
    %scan3A = arith.constant 0 : i32
    %scan3A_32 = arith.constant 5 : i32
    %scan3A_33 = arith.addi %scan3A, %scan3A_32 : i32
    %scan3A_34 = arith.constant 1 : i32
    scf.for %scan3A_36 = %scan3A to %scan3A_33 step %scan3A_34  : i32 {
      %mul3A_37 = arith.constant 20000 : i32
      %mul3A_38 = arith.muli %scan3A_36, %mul3A_37 : i32
      %add3A_39 = arith.addi %mul3A_2, %mul3A_38 : i32
      %dma_start3A_40 = tpu.memref_slice %arg6[%add3A_39] : memref<3200000xi32, #tpu.memory_space<hbm>> -> memref<20000xi32, #tpu.memory_space<hbm>>
      %dma_start3A_41 = tpu.memref_slice %arg6[%add3A_39] : memref<3200000xi32, #tpu.memory_space<hbm>> -> memref<20000xi32, #tpu.memory_space<hbm>>
      tpu.enqueue_dma source(%dma_start3A_41 : memref<20000xi32, #tpu.memory_space<hbm>>) target(%arg10 : memref<20000xi32, #tpu.memory_space<vmem>>) target_semaphore(%arg16 : memref<!tpu.dma_semaphore, #tpu.memory_space<semaphore_mem>>)
      %dma_start3A_42 = tpu.memref_slice %arg4[%add3A_39] : memref<3200000xf32, #tpu.memory_space<hbm>> -> memref<20000xf32, #tpu.memory_space<hbm>>
      %dma_start3A_43 = tpu.memref_slice %arg4[%add3A_39] : memref<3200000xf32, #tpu.memory_space<hbm>> -> memref<20000xf32, #tpu.memory_space<hbm>>
      tpu.enqueue_dma source(%dma_start3A_43 : memref<20000xf32, #tpu.memory_space<hbm>>) target(%arg11 : memref<20000xf32, #tpu.memory_space<vmem>>) target_semaphore(%arg17 : memref<!tpu.dma_semaphore, #tpu.memory_space<semaphore_mem>>)
      %dma_start3A_44 = tpu.memref_slice %arg5[%add3A_39] : memref<3200000xf32, #tpu.memory_space<hbm>> -> memref<20000xf32, #tpu.memory_space<hbm>>
      %dma_start3A_45 = tpu.memref_slice %arg5[%add3A_39] : memref<3200000xf32, #tpu.memory_space<hbm>> -> memref<20000xf32, #tpu.memory_space<hbm>>
      tpu.enqueue_dma source(%dma_start3A_45 : memref<20000xf32, #tpu.memory_space<hbm>>) target(%arg12 : memref<20000xf32, #tpu.memory_space<vmem>>) target_semaphore(%arg18 : memref<!tpu.dma_semaphore, #tpu.memory_space<semaphore_mem>>)
      %dma_wait3A_46 = tpu.memref_slice %arg6[%add3A_39] : memref<3200000xi32, #tpu.memory_space<hbm>> -> memref<20000xi32, #tpu.memory_space<hbm>>
      %dma_wait3A_47 = tpu.memref_slice %arg6[%add3A_39] : memref<3200000xi32, #tpu.memory_space<hbm>> -> memref<20000xi32, #tpu.memory_space<hbm>>
      tpu.wait_dma2 semaphore(%arg16 : memref<!tpu.dma_semaphore, #tpu.memory_space<semaphore_mem>>) src(%dma_wait3A_47 : memref<20000xi32, #tpu.memory_space<hbm>>) dst(%arg10 : memref<20000xi32, #tpu.memory_space<vmem>>)
      %dma_wait3A_48 = tpu.memref_slice %arg4[%add3A_39] : memref<3200000xf32, #tpu.memory_space<hbm>> -> memref<20000xf32, #tpu.memory_space<hbm>>
      %dma_wait3A_49 = tpu.memref_slice %arg4[%add3A_39] : memref<3200000xf32, #tpu.memory_space<hbm>> -> memref<20000xf32, #tpu.memory_space<hbm>>
      tpu.wait_dma2 semaphore(%arg17 : memref<!tpu.dma_semaphore, #tpu.memory_space<semaphore_mem>>) src(%dma_wait3A_49 : memref<20000xf32, #tpu.memory_space<hbm>>) dst(%arg11 : memref<20000xf32, #tpu.memory_space<vmem>>)
      %dma_wait3A_50 = tpu.memref_slice %arg5[%add3A_39] : memref<3200000xf32, #tpu.memory_space<hbm>> -> memref<20000xf32, #tpu.memory_space<hbm>>
      %dma_wait3A_51 = tpu.memref_slice %arg5[%add3A_39] : memref<3200000xf32, #tpu.memory_space<hbm>> -> memref<20000xf32, #tpu.memory_space<hbm>>
      tpu.wait_dma2 semaphore(%arg18 : memref<!tpu.dma_semaphore, #tpu.memory_space<semaphore_mem>>) src(%dma_wait3A_51 : memref<20000xf32, #tpu.memory_space<hbm>>) dst(%arg12 : memref<20000xf32, #tpu.memory_space<vmem>>)
      %not3A = arith.constant true
      %not3A_52 = arith.xori %ge3A_25, %not3A : i1
      %convert_element_type3A = arith.extui %not3A_52 : i1 to i32
      %cond3A = arith.constant 0 : i32
      %cond3A_53 = arith.cmpi ne, %convert_element_type3A, %cond3A : i32
      scf.if %cond3A_53 {
        %parallel_loop3A = arith.constant 0 : i32
        %parallel_loop3A_67 = arith.constant 20000 : i32
        %parallel_loop3A_68 = arith.constant 16 : i32
        scf.for %parallel_loop3A_69 = %parallel_loop3A to %parallel_loop3A_67 step %parallel_loop3A_68  : i32 {
          %parallel_loop3A_70 = arith.index_cast %parallel_loop3A_69 : i32 to index
          %parallel_loop3A_71 = tpu.vector_load %arg10[%parallel_loop3A_70] {strides = array<i32>} : memref<20000xi32, #tpu.memory_space<vmem>>, vector<16xi32>,
          %parallel_loop3A_72 = arith.subi %parallel_loop3A_71, %broadcast_in_dim3A : vector<16xi32>
          %parallel_loop3A_73 = tpu.vector_load_idx %arg8[%parallel_loop3A_72] : memref<8192xf32, #tpu.memory_space<vmem>>[vector<16xi32>], vector<16xf32>,
          %parallel_loop3A_74 = arith.index_cast %parallel_loop3A_69 : i32 to index
          %parallel_loop3A_75 = tpu.vector_load %arg11[%parallel_loop3A_74] {strides = array<i32>} : memref<20000xf32, #tpu.memory_space<vmem>>, vector<16xf32>,
          %parallel_loop3A_76 = arith.addf %parallel_loop3A_73, %parallel_loop3A_75 : vector<16xf32>
          %parallel_loop3A_77 = arith.index_cast %parallel_loop3A_69 : i32 to index
          %parallel_loop3A_78 = tpu.vector_load %arg13[%parallel_loop3A_77] {strides = array<i32>} : memref<20000xf32, #tpu.memory_space<vmem>>, vector<16xf32>,
          tpu.vector_store %arg13[%parallel_loop3A_77], %parallel_loop3A_76 {strides = array<i32>} : memref<20000xf32, #tpu.memory_space<vmem>>, vector<16xf32>,
          %parallel_loop3A_79 = tpu.vector_load_idx %arg9[%parallel_loop3A_72] : memref<8192xf32, #tpu.memory_space<vmem>>[vector<16xi32>], vector<16xf32>,
          %parallel_loop3A_80 = arith.index_cast %parallel_loop3A_69 : i32 to index
          %parallel_loop3A_81 = tpu.vector_load %arg12[%parallel_loop3A_80] {strides = array<i32>} : memref<20000xf32, #tpu.memory_space<vmem>>, vector<16xf32>,
          %parallel_loop3A_82 = arith.addf %parallel_loop3A_79, %parallel_loop3A_81 : vector<16xf32>
          %parallel_loop3A_83 = arith.index_cast %parallel_loop3A_69 : i32 to index
          %parallel_loop3A_84 = tpu.vector_load %arg14[%parallel_loop3A_83] {strides = array<i32>} : memref<20000xf32, #tpu.memory_space<vmem>>, vector<16xf32>,
          tpu.vector_store %arg14[%parallel_loop3A_83], %parallel_loop3A_82 {strides = array<i32>} : memref<20000xf32, #tpu.memory_space<vmem>>, vector<16xf32>,
        } {sc.loop_unroll_factor = 8 : i64, sc.parallel_access}
      } else {
      }
      %convert_element_type3A_54 = arith.extui %ge3A_25 : i1 to i32
      %cond3A_55 = arith.constant 0 : i32
      %cond3A_56 = arith.cmpi ne, %convert_element_type3A_54, %cond3A_55 : i32
      scf.if %cond3A_56 {
        %dma_start3A_67 = arith.constant 0 : i32
        %dma_start3A_68 = tpu.memref_slice %arg2[%dma_start3A_67] : memref<110000xf32, #tpu.memory_space<hbm>> -> memref<110000xf32, #tpu.memory_space<hbm>>
        tpu.enqueue_indirect_dma source(%dma_start3A_68 : memref<110000xf32, #tpu.memory_space<hbm>>) target(%arg13 : memref<20000xf32, #tpu.memory_space<vmem>>) offsets(%arg10 : memref<20000xi32, #tpu.memory_space<vmem>>) semaphore(%arg16 : memref<!tpu.dma_semaphore, #tpu.memory_space<semaphore_mem>>)
        %dma_wait3A_69 = arith.constant 0 : i32
        %dma_wait3A_70 = tpu.memref_slice %arg2[%dma_wait3A_69] : memref<110000xf32, #tpu.memory_space<hbm>> -> memref<110000xf32, #tpu.memory_space<hbm>>
        tpu.wait_indirect_dma semaphore(%arg16 : memref<!tpu.dma_semaphore, #tpu.memory_space<semaphore_mem>>) src(%dma_wait3A_70 : memref<110000xf32, #tpu.memory_space<hbm>>) dst(%arg13 : memref<20000xf32, #tpu.memory_space<vmem>>)
        %dma_start3A_71 = arith.constant 0 : i32
        %dma_start3A_72 = tpu.memref_slice %arg3[%dma_start3A_71] : memref<110000xf32, #tpu.memory_space<hbm>> -> memref<110000xf32, #tpu.memory_space<hbm>>
        tpu.enqueue_indirect_dma source(%dma_start3A_72 : memref<110000xf32, #tpu.memory_space<hbm>>) target(%arg14 : memref<20000xf32, #tpu.memory_space<vmem>>) offsets(%arg10 : memref<20000xi32, #tpu.memory_space<vmem>>) semaphore(%arg17 : memref<!tpu.dma_semaphore, #tpu.memory_space<semaphore_mem>>)
        %dma_wait3A_73 = arith.constant 0 : i32
        %dma_wait3A_74 = tpu.memref_slice %arg3[%dma_wait3A_73] : memref<110000xf32, #tpu.memory_space<hbm>> -> memref<110000xf32, #tpu.memory_space<hbm>>
        tpu.wait_indirect_dma semaphore(%arg17 : memref<!tpu.dma_semaphore, #tpu.memory_space<semaphore_mem>>) src(%dma_wait3A_74 : memref<110000xf32, #tpu.memory_space<hbm>>) dst(%arg14 : memref<20000xf32, #tpu.memory_space<vmem>>)
        %parallel_loop3A = arith.constant 0 : i32
        %parallel_loop3A_75 = arith.constant 20000 : i32
        %parallel_loop3A_76 = arith.constant 16 : i32
        scf.for %parallel_loop3A_77 = %parallel_loop3A to %parallel_loop3A_75 step %parallel_loop3A_76  : i32 {
          %parallel_loop3A_78 = arith.index_cast %parallel_loop3A_77 : i32 to index
          %parallel_loop3A_79 = tpu.vector_load %arg13[%parallel_loop3A_78] {strides = array<i32>} : memref<20000xf32, #tpu.memory_space<vmem>>, vector<16xf32>,
          %parallel_loop3A_80 = arith.index_cast %parallel_loop3A_77 : i32 to index
          %parallel_loop3A_81 = tpu.vector_load %arg11[%parallel_loop3A_80] {strides = array<i32>} : memref<20000xf32, #tpu.memory_space<vmem>>, vector<16xf32>,
          %parallel_loop3A_82 = arith.addf %parallel_loop3A_79, %parallel_loop3A_81 : vector<16xf32>
          %parallel_loop3A_83 = arith.index_cast %parallel_loop3A_77 : i32 to index
          %parallel_loop3A_84 = tpu.vector_load %arg13[%parallel_loop3A_83] {strides = array<i32>} : memref<20000xf32, #tpu.memory_space<vmem>>, vector<16xf32>,
          tpu.vector_store %arg13[%parallel_loop3A_83], %parallel_loop3A_82 {strides = array<i32>} : memref<20000xf32, #tpu.memory_space<vmem>>, vector<16xf32>,
          %parallel_loop3A_85 = arith.index_cast %parallel_loop3A_77 : i32 to index
          %parallel_loop3A_86 = tpu.vector_load %arg14[%parallel_loop3A_85] {strides = array<i32>} : memref<20000xf32, #tpu.memory_space<vmem>>, vector<16xf32>,
          %parallel_loop3A_87 = arith.index_cast %parallel_loop3A_77 : i32 to index
          %parallel_loop3A_88 = tpu.vector_load %arg12[%parallel_loop3A_87] {strides = array<i32>} : memref<20000xf32, #tpu.memory_space<vmem>>, vector<16xf32>,
          %parallel_loop3A_89 = arith.addf %parallel_loop3A_86, %parallel_loop3A_88 : vector<16xf32>
          %parallel_loop3A_90 = arith.index_cast %parallel_loop3A_77 : i32 to index
          %parallel_loop3A_91 = tpu.vector_load %arg14[%parallel_loop3A_90] {strides = array<i32>} : memref<20000xf32, #tpu.memory_space<vmem>>, vector<16xf32>,
          tpu.vector_store %arg14[%parallel_loop3A_90], %parallel_loop3A_89 {strides = array<i32>} : memref<20000xf32, #tpu.memory_space<vmem>>, vector<16xf32>,
        } {sc.loop_unroll_factor = 8 : i64, sc.parallel_access}
      } else {
      }
      %dma_start3A_57 = tpu.memref_slice %arg7[%add3A_39] : memref<6400000xf32, #tpu.memory_space<hbm>> -> memref<20000xf32, #tpu.memory_space<hbm>>
      %dma_start3A_58 = tpu.memref_slice %arg7[%add3A_39] : memref<6400000xf32, #tpu.memory_space<hbm>> -> memref<20000xf32, #tpu.memory_space<hbm>>
      tpu.enqueue_dma source(%arg13 : memref<20000xf32, #tpu.memory_space<vmem>>) target(%dma_start3A_58 : memref<20000xf32, #tpu.memory_space<hbm>>) target_semaphore(%arg16 : memref<!tpu.dma_semaphore, #tpu.memory_space<semaphore_mem>>)
      %add3A_59 = arith.constant 3200000 : i32
      %add3A_60 = arith.addi %add3A_59, %add3A_39 : i32
      %dma_start3A_61 = tpu.memref_slice %arg7[%add3A_60] : memref<6400000xf32, #tpu.memory_space<hbm>> -> memref<20000xf32, #tpu.memory_space<hbm>>
      %dma_start3A_62 = tpu.memref_slice %arg7[%add3A_60] : memref<6400000xf32, #tpu.memory_space<hbm>> -> memref<20000xf32, #tpu.memory_space<hbm>>
      tpu.enqueue_dma source(%arg14 : memref<20000xf32, #tpu.memory_space<vmem>>) target(%dma_start3A_62 : memref<20000xf32, #tpu.memory_space<hbm>>) target_semaphore(%arg17 : memref<!tpu.dma_semaphore, #tpu.memory_space<semaphore_mem>>)
      %dma_wait3A_63 = tpu.memref_slice %arg7[%add3A_39] : memref<6400000xf32, #tpu.memory_space<hbm>> -> memref<20000xf32, #tpu.memory_space<hbm>>
      %dma_wait3A_64 = tpu.memref_slice %arg7[%add3A_39] : memref<6400000xf32, #tpu.memory_space<hbm>> -> memref<20000xf32, #tpu.memory_space<hbm>>
      tpu.wait_dma2 semaphore(%arg16 : memref<!tpu.dma_semaphore, #tpu.memory_space<semaphore_mem>>) src(%arg13 : memref<20000xf32, #tpu.memory_space<vmem>>) dst(%dma_wait3A_64 : memref<20000xf32, #tpu.memory_space<hbm>>)
      %dma_wait3A_65 = tpu.memref_slice %arg7[%add3A_60] : memref<6400000xf32, #tpu.memory_space<hbm>> -> memref<20000xf32, #tpu.memory_space<hbm>>
      %dma_wait3A_66 = tpu.memref_slice %arg7[%add3A_60] : memref<6400000xf32, #tpu.memory_space<hbm>> -> memref<20000xf32, #tpu.memory_space<hbm>>
      tpu.wait_dma2 semaphore(%arg17 : memref<!tpu.dma_semaphore, #tpu.memory_space<semaphore_mem>>) src(%arg14 : memref<20000xf32, #tpu.memory_space<vmem>>) dst(%dma_wait3A_66 : memref<20000xf32, #tpu.memory_space<hbm>>)
    }
    %scan3A_35 = arith.constant 5 : i32
    return
  }
}

</mosaic_0001>

<sc_bundles>
// kernel: kernel.3.cloned.1.call-start
scs
__scs_entry_jumppad:
0x0: {  	(pc) =	sbr.rel $0x88, $3  }
0x1: {  	(tag) =	ssettag $0x0;
	lr =	simm.s32 $0x1  }
0x2: {  	[smem:$0x3F9D] =	sst lr;
	_ =	strace $0xD0000000  }
0x3: {  	_ = 	snop  }
0x4: {  	_ = 	snop  }
0x5: {  	_ = 	snop  }
0x6: {  	_ = 	snop  }
0x7: {  	_ = 	snop  }
__scs_overlays_trampoline_lowered:
0x8: {  	[smem:$0x3FAC] =	sst s0  }
0x9: {  	[smem:$0x3FAD] =	sst s1  }
0xa: {  	[smem:$0x3FAE] =	sst s2  }
0xb: {  	[smem:$0x3FAF] =	sst s3  }
0xc: {  	[smem:$0x3FB0] =	sst s4  }
0xd: {  	[smem:$0x3FB1] =	sst s5  }
0xe: {  	[smem:$0x3FB2] =	sst s6  }
0xf: {  	[smem:$0x3FB3] =	sst s7  }
0x10: {  	[smem:$0x3FB4] =	sst s8  }
0x11: {  	[smem:$0x3FB5] =	sst s9;
	s0 =	simm.s32 @!p0 $0x0  }
0x12: {  	s1 =	sld [smem:$0x3F9B];
	s0 =	simm.s32 @p0 $0x1  }
0x13: {  	[smem:$0x3FB6] =	sst s0;
	s0 =	simm.s32 @!p1 $0x0  }
0x14: {  	s2 =	sld [smem:$0x3F9A];
	s0 =	simm.s32 @p1 $0x1  }
0x15: {  	[smem:$0x3FB7] =	sst s0;
	s0 =	simm.s32 @!p2 $0x0  }
0x16: {  	s3 =	sld [smem:$0x3FDB];
	s0 =	simm.s32 @p2 $0x1  }
0x17: {  	s4 =	simm.s32 $0x1BF5;
	[smem:$0x3FB9] =	sst s0  }
0x18: {  	s0 =	sld [smem:$0x3F9C];
	_ =	swait.ge [sflag:s4], $0x0  }
0x19: {  	s7 =	sld [smem:$0x3F9D]  }
0x1a: {  	s8 =	sadd.s32 $0xFFFFE003, lr  }
0x1b: {  	s9 =	sadd.s32 $0xFFFFFEF7, lr;
	s5 =	simm.s32 $0xFFFFFFFF;
	p2 =	slt.u32 s8, $0xFFFFF086  }
0x1c: {  	p1 =	slt.u32 s9, $0xF7A;
	s5 =	simm.s32 @!p2 $0x0  }
0x1d: {  	s5 =	simm.s32 @p1 $0x1;
	p0 =	seq.s32 s7, s2  }
0x1e: {  	s7 =	smul.u32 @!p0 $0xF7A, s2;
	p2 =	seq.s32 @!p0 s5, $0x0  }
0x1f: {  	s9 =	smul.u32 $0xF7A, s1;
	s8 =	simm.s32 @!p0 $0x1BF5;
	p2 =	por !p2, p0  }
0x20: {  	[sflag:s8] =	ssyncset.s32 @!p0 $0xFFFFF086;
	s6 =	sadd.s32 @!p0 s3, s7;
	s7 =	simm.s32 @!p0 $0x108  }
0x21: {  	s3 =	sadd.s32 s3, s9;
	s6 =	sadd.s32 @!p0 $0x88, s6;
	s7 =	simm.s32 @p2 $0x1082  }
0x22: {  	[simem:s7], [sflag:s8] =	dma.local @!p0 [hbm:s6], $0xF7A  }
0x23: {  	s9 =	sor.u32 $0xD0000000, s2;
	s6 =	simm.s32 $0x108;
	_ =	swait.ge @!p0 [sflag:s8], $0x0  }
0x24: {  	s3 =	sadd.s32 $0x88, s3;
	s6 =	simm.s32 @!p1 $0x1082;
	[sflag:s4] =	ssyncset.s32 $0xFFFFF086  }
0x25: {  	[simem:s6], [sflag:s4] =	dma.local [hbm:s3], $0xF7A  }
0x26: {  	[smem:$0x3F9D] =	sst s1;
	(tag) =	ssettag s2;
	_ =	strace s9  }
0x27: {  	s1 =	sld [smem:$0x3FAD]  }
0x28: {  	s2 =	sld [smem:$0x3FAE]  }
0x29: {  	s4 =	sld [smem:$0x3FB0]  }
0x2a: {  	p0 =	seq.s32 s5, $0x0;
	s5 =	sld [smem:$0x3FB1]  }
0x2b: {  	s6 =	sld [smem:$0x3FB2]  }
0x2c: {  	s7 =	sld [smem:$0x3FB3]  }
0x2d: {  	s3 =	simm.s32 $0x108;
	s8 =	sld [smem:$0x3FB4]  }
0x2e: {  	s3 =	simm.s32 @!p0 $0x1082;
	s9 =	sld [smem:$0x3FB5]  }
0x2f: {  	lr =	sadd.s32 s0, s3;
	s0 =	sld [smem:$0x3FAC]  }
0x30: {  	s3 =	sld [smem:$0x3FAF]  }
0x31: {  	[smem:$0x3FB8] =	sst s10  }
0x32: {  	s10 =	sld [smem:$0x3FB6];
	_ =	sdelay $0x3  }
0x33: {  	p0 =	seq.s32 s10, $0x1;
	s10 =	sld [smem:$0x3FB8];
	_ =	sdelay $0x3  }
0x34: {  	[smem:$0x3FB8] =	sst s10  }
0x35: {  	s10 =	sld [smem:$0x3FB7];
	_ =	sdelay $0x3  }
0x36: {  	p1 =	seq.s32 s10, $0x1;
	s10 =	sld [smem:$0x3FB8];
	_ =	sdelay $0x3  }
0x37: {  	[smem:$0x3FB8] =	sst s10  }
0x38: {  	s10 =	sld [smem:$0x3FB9]  }
0x39: {  	_ = 	snop;
	(pc) =	sbr.ind lr, $3  }
0x3a: {  	_ = 	snop  }
0x3b: {  	_ = 	snop  }
0x3c: {  	p2 =	seq.s32 s10, $0x1;
	s10 =	sld [smem:$0x3FB8]  }
0x3d: {  	_ =	shalt  }
0x3e: {  	_ =	shalt  }
0x3f: {  	_ =	shalt  }
0x40: {  	_ =	shalt  }
0x41: {  	_ =	shalt  }
0x42: {  	_ =	shalt  }
0x43: {  	_ =	shalt  }
0x44: {  	_ =	shalt  }
0x45: {  	_ =	shalt  }
0x46: {  	_ =	shalt  }
0x47: {  	_ =	shalt  }
0x48: {  	_ =	shalt  }
0x49: {  	_ =	shalt  }
0x4a: {  	_ =	shalt  }
0x4b: {  	_ =	shalt  }
0x4c: {  	_ =	shalt  }
0x4d: {  	_ =	shalt  }
0x4e: {  	_ =	shalt  }
0x4f: {  	_ =	shalt  }
0x50: {  	_ =	shalt  }
0x51: {  	_ =	shalt  }
0x52: {  	_ =	shalt  }
0x53: {  	_ =	shalt  }
0x54: {  	_ =	shalt  }
0x55: {  	_ =	shalt  }
0x56: {  	_ =	shalt  }
0x57: {  	_ =	shalt  }
0x58: {  	_ =	shalt  }
0x59: {  	_ =	shalt  }
0x5a: {  	_ =	shalt  }
0x5b: {  	_ =	shalt  }
0x5c: {  	_ =	shalt  }
0x5d: {  	_ =	shalt  }
0x5e: {  	_ =	shalt  }
0x5f: {  	_ =	shalt  }
0x60: {  	_ =	shalt  }
0x61: {  	_ =	shalt  }
0x62: {  	_ =	shalt  }
0x63: {  	_ =	shalt  }
0x64: {  	_ =	shalt  }
0x65: {  	_ =	shalt  }
0x66: {  	_ =	shalt  }
0x67: {  	_ =	shalt  }
0x68: {  	_ =	shalt  }
0x69: {  	_ =	shalt  }
0x6a: {  	_ =	shalt  }
0x6b: {  	_ =	shalt  }
0x6c: {  	_ =	shalt  }
0x6d: {  	_ =	shalt  }
0x6e: {  	_ =	shalt  }
0x6f: {  	_ =	shalt  }
0x70: {  	_ =	shalt  }
0x71: {  	_ =	shalt  }
0x72: {  	_ =	shalt  }
0x73: {  	_ =	shalt  }
0x74: {  	_ =	shalt  }
0x75: {  	_ =	shalt  }
0x76: {  	_ =	shalt  }
0x77: {  	_ =	shalt  }
0x78: {  	_ =	shalt  }
0x79: {  	_ =	shalt  }
0x7a: {  	_ =	shalt  }
0x7b: {  	_ =	shalt  }
0x7c: {  	_ =	shalt  }
0x7d: {  	_ =	shalt  }
0x7e: {  	_ =	shalt  }
0x7f: {  	_ =	shalt  }
0x80: {  	_ =	shalt  }
0x81: {  	_ =	shalt  }
0x82: {  	_ =	shalt  }
0x83: {  	_ =	shalt  }
0x84: {  	_ =	shalt  }
0x85: {  	_ =	shalt  }
0x86: {  	_ =	shalt  }
0x87: {  	_ =	shalt  }
.Lfunc_end0:
.L_simem_size_0:
called_computation_lowered:
.L_overlay_start_0:
0x88: {  	s2 =	sld [smem:$0x3FD9]  }
0x89: {  	s3 =	sld [smem:$0x3FFE];
	_ =	sdelay $0x1  }
0x8a: {  	s1 =	srdreg.scid  }
0x8b: {  	s0 =	sand.u32 $0x1, s1  }
0x8c: {  	s17 =	sshll.u32 s0, $0xA;
	s2 =	sadd.s32 s3, s2  }
0x8d: {  	s2 =	sadd.s32 s2, s17  }
0x8e: {  	[smem:$0x3FC4] =	sst s2  }
0x8f: {  	_ = 	snop  }
0x90: {  	s2 =	sld [smem:$0x3FC8]  }
0x91: {  	s18 =	sld [smem:$0x3FC7]  }
0x92: {  	s4 =	sld [smem:$0x3FC6]  }
0x93: {  	s5 =	sld [smem:$0x3FD0];
	(tm) =	ssettm $0x1  }
0x94: {  	s6 =	sld [smem:$0x3FFB];
	_ =	sdelay $0x3  }
0x95: {  	_ =	strace s6  }
0x96: {  	s6 =	sld [smem:$0x3FFC];
	_ =	sdelay $0x3  }
0x97: {  	_ =	strace s6  }
0x98: {  	s6 =	sld [smem:$0x3FFD];
	_ =	sdelay $0x3  }
0x99: {  	_ =	strace s6  }
0x9a: {  	_ =	strace $0x8FFFFFFF  }
0x9b: {  	s19 =	sld [smem:$0x3FDB];
	_ =	sdelay $0x1  }
0x9c: {  	s7 =	simm.s32 $_scs_section_size  }
0x9d: {  	s8 =	simm.s32 $_size__tile_overlayer_lowered;
	s9 =	simm.s32 $_tile_overlayer_lowered  }
0x9e: {  	s22 =	simm.s32 $0x1BFF;
	s21 =	sshll.u32 s9, $0x1;
	s6 =	sadd.s32 s7, s19  }
0x9f: {  	s10 =	simm.s32 $0x0;
	s20 =	sshll.u32 s8, $0x1;
	s8 =	sadd.s32 s21, s6  }
0xa0: {  	[timem:s10], [sflag:s22] =	dma.local [hbm:s8], s20  }
0xa1: {  	_ =	swait.ge [sflag:s22], s20  }
0xa2: {  	s7 =	ssub.s32 $0x0, s20;
	[sflag:s22] =	ssyncset.done $0x0  }
0xa3: {  	[sflag:s22] =	ssyncadd.s32 s7;
	_ =	sdelay $0x1  }
0xa4: {  	s23 =	simm.s32 $0x1B8B  }
0xa5: {  	_ =	swait.ge [sflag:s23], $0x1  }
0xa6: {  	[sflag:s23] =	ssyncset.done $0x0  }
0xa7: {  	s25 =	simm.s32 $0x1B8E;
	s24 =	sld [smem:$0x3FFE];
	[sflag:s23] =	ssyncadd.s32 $0xFFFFFFFF  }
0xa8: {  	s26 =	simm.s32 $execute0_lowered;
	[smem:$0x3FD2] =	sst s25  }
0xa9: {  	s8 =	sshll.u32 s26, $0x1;
	_ =	strace $0x80000046;
	[dreg:$0x1] =	wrdreg $0xFFFFFFFF  }
0xaa: {  	s28 =	simm.s32 $_size_execute0_lowered;
	s6 =	sadd.s32 s6, s8;
	[dreg:$0x0] =	wrdreg $0x0  }
0xab: {  	s8 =	sshll.u32 s28, $0x1;
	[dreg:$0x2] =	wrdreg s6  }
0xac: {  	[dreg:$0x3] =	wrdreg s8  }
0xad: {  	[dreg:$0x4] =	wrdreg $0xC0  }
0xae: {  	_ =	task [dreg:s10], $0x5FFFF  }
0xaf: {  	[dreg:$0x1] =	wrdreg $0xFFFFFFFF  }
0xb0: {  	[dreg:$0x0] =	wrdreg $0x60  }
0xb1: {  	[dreg:$0x2] =	wrdreg s24  }
0xb2: {  	[dreg:$0x3] =	wrdreg s2  }
0xb3: {  	[dreg:$0x4] =	wrdreg s18  }
0xb4: {  	[dreg:$0x5] =	wrdreg s4  }
0xb5: {  	[dreg:$0x6] =	wrdreg s5  }
0xb6: {  	[dreg:$0x7] =	wrdreg $0x9  }
0xb7: {  	_ =	task.clear_ibuf [dreg:s10], $0x8FFFF;
	_ =	strace $0x90000046  }
0xb8: {  	s29 =	simm.s32 $0x9;
	_ =	strace $0x80000048  }
0xb9: {  	_ =	swait.ge [sflag:s29], $0x1  }
0xba: {  	[sflag:s29] =	ssyncadd.s32 $0xFFFFFFFF  }
0xbb: {  	_ =	strace $0x90000048  }
0xbc: {  	_ =	sfence  }
0xbd: {  	s30 =	sld [smem:$0x0];
	_ =	sdelay $0x2  }
0xbe: {  	s31 =	sshll.u32 s1, $0xD;
	s1 =	sshrl.u32 s1, $0x2  }
0xbf: {  	s3 =	sand.u32 $0x4000, s31;
	s1 =	sadd.s32 s1, s30  }
0xc0: {  	s0 =	sor.u32 s3, s0;
	s1 =	sshll.u32 s1, $0x11  }
0xc1: {  	s0 =	sor.u32 s1, s0  }
0xc2: {  	s0 =	sadd.s32 $0x8F2B, s0  }
0xc3: {  	[sflag:s0] =	ssyncadd.remote.s32 $0x1  }
0xc4: {  	_ =	sfence.sel $0xFFFF  }
0xc5: {  	[dreg:$0x0] =	wrdreg $0xFFFFFFFF;
	(pc) =	sbr.abs _section_cstart, $3  }
0xc6: {  	[dreg:$0x1] =	wrdreg $0xFFFFFFFF  }
0xc7: {  	_ =	task.clear_ibuf [dreg:s10], $0x2FFFF;
	_ =	strace $0x9FFFFFFF  }
0xc8: {  	(tm) =	ssettm $0x7FFFFFFF  }
0xc9: {  	_ =	shalt  }
tec
execute0_lowered:
.L_overlay_start_1:
0x0: {  	(tag) =	ssettag $0x1  }
0x1: {  	s0 =	rddreg [dreg:$0x0]  }
0x2: {  	s25 =	rddreg [dreg:$0x1]  }
0x3: {  	s5 =	rddreg [dreg:$0x2]  }
0x4: {  	s19 =	rddreg [dreg:$0x3];
	s1 =	srdreg.scid  }
0x5: {  	s2 =	stileid.u32;
	s20 =	rddreg [dreg:$0x4]  }
0x6: {  	s6 =	simm.s32 $0x0;
	s15 =	simm.s32 $0x2000;
	s16 =	simm.s32 $0x1  }
0x7: {  	s17 =	simm.s32 $0x2;
	s18 =	simm.s32 $0x4000;
	s24 =	simm.s32 $0x8E80  }
0x8: {  	s29 =	simm.s32 $0xDD00;
	s1 =	sand.u32 $0x1, s1;
	s2 =	sshll.u32 s2, $0x1  }
0x9: {  	s21 =	simm.s32 $0x3;
	s2 =	sor.u32 s1, s2;
	s1 =	ssub.s32 $0x2, s1  }
0xa: {  	[smem:$0x7FF] =	sst s6;
	s7 =	smul.u32 $0x186A0, s2;
	s28 =	sshrl.u32 s1, $0x1  }
.Ltmp0:
0xb: {  	s8 =	sadd.s32 $0x3C00, s0;
	s30 =	ssub.s32 s1, s28;
	(pc) =	sbr.rel .LBB2_1-.Ltmp0, $4  }
0xc: {  	s9 =	sadd.s32 $0x600, s0;
	s3 =	sshrl.u32 s7, $0x3;
	s0 =	smax.u32 s30, $0x1  }
0xd: {  	_ =	strace $0x80000047;
	s31 =	sadd.s32 s19, s3;
	[dreg:$0x8] =	wrdreg s0  }
0xe: {  	s22 =	simm.s32 $0x12B80;
	[dreg:$0x6] =	wrdreg s31;
	s1 =	sadd.s32 $0x30D2, s31  }
0xf: {  	s23 =	simm.s32 $0x17A00;
	[dreg:$0x7] =	wrdreg s1;
	s1 =	simm.s32 $0x0  }
.LBB2_12:
0x10: {  	s1 =	rddreg [dreg:$0x9]  }
0x11: {  	s0 =	rddreg [dreg:$0x8];
	s1 =	sadd.s32 $0x1, s1  }
0x12: {  	p0 =	sne.s32 s1, s0  }
.Ltmp1:
0x13: {  	_ = 	snop;
	(pc) =	sbr.rel @!p0 .LBB2_13-.Ltmp1, $1  }
0x14: {  	_ =	sdelay $0x3  }
.LBB2_1:
0x15: {  	[dreg:$0x9] =	wrdreg s1  }
0x16: {  	s0 =	rddreg [dreg:$0x6];
	s2 =	simm.s32 $0x1C880;
	s3 =	simm.s32 $0x4  }
0x17: {  	[tilespmem:s2], [sflag:$0x4] =	stream.linear.gather [hbm4b:s0+s6], $0x10, $0x38;
	[tilespmem:$0x1C900] =	vst v63  }
0x18: {  	_ =	swait.ge [sflag:s3], $0x10  }
0x19: {  	[sflag:s3] =	ssyncset.done $0x0  }
0x1a: {  	[sflag:s3] =	ssyncadd.s32 $0xFFFFFFF0  }
0x1b: {  	v0 =	vld [tilespmem:$0x1C880];
	_ =	sdelay $0x4  }
0x1c: {  	v0 =	vxor.u32 $0x80000000, v0  }
0x1d: {  	(xrf0) =	vmin.scan.msk.u32 $0xffff, v0;
	_ =	sdelay $0x5  }
0x1e: {  	v0, _, _ =	vpop (xrf0)  }
0x1f: {  	(v2sf) =	vpush v0, $0xF;
	_ =	sdelay $0xc  }
0x20: {  	s14 =	rddreg [dreg:$0x7]  }
0x21: {  	[tilespmem:s2], [sflag:$0x4] =	stream.linear.gather [hbm4b:s14+s6], $0x10, $0x38;
	[tilespmem:$0x1C900] =	vst v63  }
0x22: {  	s13 =	spop (v2sf)  }
0x23: {  	_ =	swait.ge [sflag:s3], $0x10  }
0x24: {  	[sflag:s3] =	ssyncset.done $0x0  }
0x25: {  	[sflag:s3] =	ssyncadd.s32 $0xFFFFFFF0  }
0x26: {  	v0 =	vld [tilespmem:$0x1C880];
	_ =	sdelay $0x4  }
0x27: {  	v0 =	vxor.u32 $0x80000000, v0  }
0x28: {  	(xrf0) =	vmax.scan.msk.u32 $0xffff, v0;
	_ =	sdelay $0x5  }
0x29: {  	v0, _, _ =	vpop (xrf0)  }
0x2a: {  	(v2sf) =	vpush v0, $0xF;
	_ =	sdelay $0x7  }
0x2b: {  	s0 =	sand.u32 $0xFFFFFFF8, s13  }
0x2c: {  	s0 =	sxor.u32 $0x80000000, s0  }
0x2d: {  	s26 =	sshrl.u32 s0, $0x3  }
0x2e: {  	s28 =	sadd.s32 s8, s26  }
0x2f: {  	[tilespmem:s6], [sflag:$0x1] =	stream.linear.gather [hbm4b:s28+s6], $0x2000, $0x38;
	[tilespmem:$0x1C900] =	vst v63  }
0x30: {  	s1 =	sadd.s32 s9, s26  }
0x31: {  	[tilespmem:s15], [sflag:$0x2] =	stream.linear.gather [hbm4b:s1+s6], $0x2000, $0x38;
	[tilespmem:$0x1C900] =	vst v63  }
0x32: {  	s30 =	spop (v2sf)  }
0x33: {  	_ =	swait.ge [sflag:s16], $0x2000  }
.Ltmp2:
0x34: {  	[sflag:s16] =	ssyncset.done $0x0;
	(pc) =	sbr.rel .LBB2_2-.Ltmp2, $4  }
0x35: {  	[sflag:s16] =	ssyncadd.s32 $0xFFFFE000  }
0x36: {  	s31 =	sxor.u32 $0x80000000, s30;
	_ =	swait.ge [sflag:s17], $0x2000  }
0x37: {  	s1 =	ssub.s32 s31, s0;
	[sflag:s17] =	ssyncset.done $0x0  }
0x38: {  	s26 =	simm.s32 $0x0;
	v0 =	vmov s0;
	p0 =	sgt.s32 s1, $0x1FFF;
	[sflag:s17] =	ssyncadd.s32 $0xFFFFE000  }
.LBB2_11:
0x39: {  	s0 =	sadd.s32 s20, s28  }
0x3a: {  	[hbm4b:s0+s6] =	stream.linear.scatter [tilespmem:s22], [sflag:$0x1], $0x4E20, $0x38;
	[tilespmem:$0x1C900] =	vst v63  }
0x3b: {  	s26 =	sadd.s32 $0x1, s26;
	s0 =	sadd.s32 $0x61A80, s0  }
0x3c: {  	[hbm4b:s0+s6] =	stream.linear.scatter [tilespmem:s23], [sflag:$0x2], $0x4E20, $0x38;
	[tilespmem:$0x1C900] =	vst v63  }
0x3d: {  	p1 =	sne.s32 s26, $0x5;
	_ =	swait.ge [sflag:s16], $0x4E20  }
.Ltmp3:
0x3e: {  	[sflag:s16] =	ssyncset.done $0x0;
	(pc) =	sbr.rel @!p1 .LBB2_12-.Ltmp3, $4  }
0x3f: {  	[sflag:s16] =	ssyncadd.s32 $0xFFFFB1E0  }
0x40: {  	_ =	swait.ge [sflag:s17], $0x4E20  }
0x41: {  	[sflag:s17] =	ssyncset.done $0x0  }
0x42: {  	[sflag:s17] =	ssyncadd.s32 $0xFFFFB1E0  }
.LBB2_2:
0x43: {  	s0 =	smul.u32 $0x4E20, s26;
	_ =	sdelay $0x1  }
0x44: {  	s0 =	sadd.s32 s7, s0  }
0x45: {  	s28 =	sshrl.u32 s0, $0x3  }
0x46: {  	s0 =	sadd.s32 s19, s28  }
0x47: {  	[tilespmem:s18], [sflag:$0x1] =	stream.linear.gather [hbm4b:s0+s6], $0x4E20, $0x38;
	[tilespmem:$0x1C900] =	vst v63  }
0x48: {  	s30 =	sadd.s32 s25, s28  }
0x49: {  	[tilespmem:s24], [sflag:$0x2] =	stream.linear.gather [hbm4b:s30+s6], $0x4E20, $0x38;
	[tilespmem:$0x1C900] =	vst v63  }
0x4a: {  	s31 =	sadd.s32 s5, s28  }
0x4b: {  	[tilespmem:s29], [sflag:$0x3] =	stream.linear.gather [hbm4b:s31+s6], $0x4E20, $0x38;
	[tilespmem:$0x1C900] =	vst v63  }
0x4c: {  	_ =	swait.ge [sflag:s16], $0x4E20  }
0x4d: {  	[sflag:s16] =	ssyncset.done $0x0  }
0x4e: {  	[sflag:s16] =	ssyncadd.s32 $0xFFFFB1E0  }
0x4f: {  	_ =	swait.ge [sflag:s17], $0x4E20  }
.Ltmp4:
0x50: {  	[sflag:s17] =	ssyncset.done $0x0;
	(pc) =	sbr.rel @p0 .LBB2_7-.Ltmp4, $4  }
0x51: {  	[sflag:s17] =	ssyncadd.s32 $0xFFFFB1E0  }
0x52: {  	_ =	swait.ge [sflag:s21], $0x4E20  }
0x53: {  	[sflag:s21] =	ssyncset.done $0x0  }
0x54: {  	[sflag:s21] =	ssyncadd.s32 $0xFFFFB1E0  }
0x55: {  	s0 =	simm.s32 $0x4040  }
0x56: {  	v1 =	vld [tilespmem:s0+$0x30];
	_ =	sdelay $0x1  }
0x57: {  	v2 =	vld [tilespmem:s0+$0xFFFFFFD0]  }
0x58: {  	v3 =	vld [tilespmem:s0+$0xFFFFFFE0]  }
0x59: {  	v5 =	vld [tilespmem:s0+$0x0]  }
0x5a: {  	v4 =	vld [tilespmem:s0+$0xFFFFFFF0];
	v1 =	vsub.s32 v1, v0  }
0x5b: {  	v6 =	vld [tilespmem:s0+$0x10]  }
0x5c: {  	v7 =	vld [tilespmem:s0+$0xFFFFFFC0]  }
0x5d: {  	s29 =	simm.s32 $0x8EC0;
	v8 =	vld [tilespmem:s0+$0x20]  }
0x5e: {  	v10 =	vsub.s32 v5, v0;
	v5 =	vld [tilespmem:s29+$0x30]  }
0x5f: {  	v9 =	vsub.s32 v4, v0;
	v4 =	vld.idx.msk [tilespmem:v1+s6+$0x0], $0xffff  }
0x60: {  	v18 =	vld [tilespmem:s29+$0xFFFFFFE0];
	v2 =	vsub.s32 v2, v0  }
0x61: {  	v19 =	vld [tilespmem:s29+$0xFFFFFFF0];
	v11 =	vsub.s32 v6, v0;
	v6 =	vsub.s32 v7, v0  }
0x62: {  	v20 =	vld [tilespmem:s29+$0x0]  }
0x63: {  	v21 =	vld [tilespmem:s29+$0x10]  }
0x64: {  	v22 =	vld [tilespmem:s29+$0x20];
	v4 =	vadd.f32 v5, v4  }
0x65: {  	s30 =	simm.s32 $0x12BC0;
	v7 =	vld.idx.msk [tilespmem:v2+s6+$0x0], $0xffff  }
0x66: {  	v3 =	vsub.s32 v3, v0;
	v5 =	vld.idx.msk [tilespmem:v6+s6+$0x0], $0xffff;
	[tilespmem:s30+$0x30] =	vst v4  }
0x67: {  	v17 =	vld.idx.msk [tilespmem:v1+s15+$0x0], $0xffff  }
0x68: {  	v1 =	vld [tilespmem:s29+$0xFFFFFFC0]  }
0x69: {  	v8 =	vsub.s32 v8, v0;
	v4 =	vld [tilespmem:s29+$0xFFFFFFD0]  }
0x6a: {  	v13 =	vld.idx.msk [tilespmem:v9+s6+$0x0], $0xffff  }
0x6b: {  	v12 =	vld.idx.msk [tilespmem:v3+s6+$0x0], $0xffff  }
0x6c: {  	v14 =	vld.idx.msk [tilespmem:v10+s6+$0x0], $0xffff  }
0x6d: {  	v15 =	vld.idx.msk [tilespmem:v11+s6+$0x0], $0xffff;
	v1 =	vadd.f32 v1, v5  }
0x6e: {  	s10 =	simm.s32 $0xDD40;
	v16 =	vld.idx.msk [tilespmem:v8+s6+$0x0], $0xffff;
	v5 =	vadd.f32 v4, v7  }
0x6f: {  	v23 =	vld [tilespmem:s10+$0x30];
	v7 =	vadd.f32 v19, v13;
	[tilespmem:s30+$0xFFFFFFC0] =	vst v1  }
0x70: {  	v1 =	vadd.f32 v18, v12;
	[tilespmem:s30+$0xFFFFFFD0] =	vst v5;
	v4 =	vld.idx.msk [tilespmem:v6+s15+$0x0], $0xffff  }
0x71: {  	[tilespmem:s30+$0xFFFFFFF0] =	vst v7;
	v5 =	vld.idx.msk [tilespmem:v2+s15+$0x0], $0xffff  }
0x72: {  	v7 =	vld.idx.msk [tilespmem:v9+s15+$0x0], $0xffff;
	[tilespmem:s30+$0xFFFFFFE0] =	vst v1;
	v1 =	vadd.f32 v20, v14  }
0x73: {  	v6 =	vld.idx.msk [tilespmem:v3+s15+$0x0], $0xffff;
	v3 =	vadd.f32 v21, v15  }
0x74: {  	v9 =	vld [tilespmem:s10+$0xFFFFFFC0];
	[tilespmem:s30+$0x0] =	vst v1  }
0x75: {  	v1 =	vadd.f32 v22, v16;
	v2 =	vld.idx.msk [tilespmem:v10+s15+$0x0], $0xffff;
	[tilespmem:s30+$0x10] =	vst v3  }
0x76: {  	s24 =	smov.u32 s20;
	s20 =	smov.u32 s19;
	s19 =	smov.u32 s5;
	v3 =	vld.idx.msk [tilespmem:v11+s15+$0x0], $0xffff  }
0x77: {  	s5 =	smov.u32 s25;
	s14 =	simm.s32 $0x17A40;
	s1 =	simm.s32 $0x0;
	[tilespmem:s30+$0x20] =	vst v1;
	v11 =	vld [tilespmem:s10+$0xFFFFFFD0]  }
0x78: {  	s31 =	simm.s32 $0x8E00;
	s3 =	simm.s32 $0x17980;
	s13 =	simm.s32 $0x4DF0;
	v1 =	vld.idx.msk [tilespmem:v8+s15+$0x0], $0xffff;
	v8 =	vadd.f32 v23, v17  }
0x79: {  	s11 =	simm.s32 $0x1C800;
	s12 =	simm.s32 $0x12B00;
	s4 =	simm.s32 $0x40C0;
	v10 =	vld [tilespmem:s10+$0xFFFFFFE0]  }
0x7a: {  	s2 =	simm.s32 $0xDD40;
	s25 =	simm.s32 $0x17A40;
	s0 =	simm.s32 $0xDC80;
	[tilespmem:s14+$0x30] =	vst v8;
	v8 =	vld [tilespmem:s10+$0xFFFFFFF0]  }
.LBB2_4:
0x7b: {  	v12 =	vld [tilespmem:s4+$0x30];
	s1 =	sadd.s32 $0x80, s1  }
0x7c: {  	v13 =	vld [tilespmem:s4+$0xFFFFFFD0];
	p1 =	slt.u32 s1, $0x4D80;
	v4 =	vadd.f32 v9, v4  }
0x7d: {  	v9 =	vld [tilespmem:s4+$0xFFFFFFE0];
	v5 =	vadd.f32 v11, v5  }
0x7e: {  	v11 =	vld [tilespmem:s4+$0xFFFFFFF0];
	[tilespmem:s14+$0xFFFFFFC0] =	vst v4;
	v4 =	vadd.f32 v10, v6  }
0x7f: {  	v6 =	vld [tilespmem:s4+$0x0];
	[tilespmem:s14+$0xFFFFFFD0] =	vst v5;
	v5 =	vadd.f32 v8, v7  }
0x80: {  	v7 =	vld [tilespmem:s4+$0x10];
	v8 =	vsub.s32 v12, v0;
	[tilespmem:s14+$0xFFFFFFE0] =	vst v4  }
0x81: {  	v10 =	vsub.s32 v13, v0;
	v4 =	vld [tilespmem:s4+$0x20];
	[tilespmem:s14+$0xFFFFFFF0] =	vst v5  }
0x82: {  	v5 =	vld [tilespmem:s4+$0xFFFFFFC0];
	v9 =	vsub.s32 v9, v0  }
0x83: {  	v11 =	vsub.s32 v11, v0;
	v12 =	vld [tilespmem:s10+$0x0]  }
0x84: {  	v13 =	vsub.s32 v6, v0;
	v6 =	vld [tilespmem:s10+$0x10]  }
0x85: {  	s29 =	sadd.s32 $0x80, s29;
	v14 =	vsub.s32 v7, v0;
	v7 =	vld.idx.msk [tilespmem:v8+s6+$0x0], $0xffff  }
0x86: {  	v15 =	vsub.s32 v4, v0;
	v4 =	vld [tilespmem:s29+$0x30]  }
0x87: {  	v5 =	vsub.s32 v5, v0;
	v16 =	vld.idx.msk [tilespmem:v10+s6+$0x0], $0xffff  }
0x88: {  	v17 =	vld.idx.msk [tilespmem:v9+s6+$0x0], $0xffff;
	v2 =	vadd.f32 v12, v2  }
0x89: {  	v12 =	vld.idx.msk [tilespmem:v11+s6+$0x0], $0xffff;
	v3 =	vadd.f32 v6, v3  }
0x8a: {  	v6 =	vld.idx.msk [tilespmem:v13+s6+$0x0], $0xffff;
	[tilespmem:s14+$0x0] =	vst v2  }
0x8b: {  	v2 =	vld.idx.msk [tilespmem:v14+s6+$0x0], $0xffff;
	v4 =	vadd.f32 v4, v7;
	[tilespmem:s14+$0x10] =	vst v3  }
0x8c: {  	s30 =	sadd.s32 $0x80, s30;
	v3 =	vld.idx.msk [tilespmem:v5+s6+$0x0], $0xffff  }
0x8d: {  	v18 =	vld.idx.msk [tilespmem:v15+s6+$0x0], $0xffff;
	[tilespmem:s30+$0x30] =	vst v4  }
0x8e: {  	s10 =	sadd.s32 $0x80, s10;
	v4 =	vld.idx.msk [tilespmem:v8+s15+$0x0], $0xffff  }
0x8f: {  	v7 =	vld [tilespmem:s10+$0x30]  }
0x90: {  	v8 =	vld [tilespmem:s29+$0xFFFFFFC0]  }
0x91: {  	v19 =	vld [tilespmem:s29+$0xFFFFFFD0]  }
0x92: {  	v20 =	vld [tilespmem:s29+$0xFFFFFFE0]  }
0x93: {  	v21 =	vld [tilespmem:s29+$0xFFFFFFF0]  }
0x94: {  	v22 =	vld [tilespmem:s29+$0x0];
	v4 =	vadd.f32 v7, v4  }
0x95: {  	s14 =	sadd.s32 $0x80, s14;
	v3 =	vadd.f32 v8, v3;
	v7 =	vld [tilespmem:s29+$0x10]  }
0x96: {  	v8 =	vadd.f32 v19, v16;
	v16 =	vld [tilespmem:s29+$0x20];
	[tilespmem:s14+$0x30] =	vst v4  }
0x97: {  	[tilespmem:s30+$0xFFFFFFC0] =	vst v3;
	v3 =	vadd.f32 v20, v17;
	v17 =	vld [tilespmem:s2+$0x20];
	s2 =	smov.u32 s10  }
0x98: {  	v4 =	vld.idx.msk [tilespmem:v5+s15+$0x0], $0xffff;
	[tilespmem:s30+$0xFFFFFFD0] =	vst v8;
	v8 =	vadd.f32 v21, v12  }
0x99: {  	v5 =	vld.idx.msk [tilespmem:v10+s15+$0x0], $0xffff;
	[tilespmem:s30+$0xFFFFFFE0] =	vst v3;
	v3 =	vadd.f32 v22, v6  }
0x9a: {  	v6 =	vld.idx.msk [tilespmem:v9+s15+$0x0], $0xffff;
	[tilespmem:s30+$0xFFFFFFF0] =	vst v8;
	v8 =	vadd.f32 v7, v2  }
0x9b: {  	v7 =	vld.idx.msk [tilespmem:v11+s15+$0x0], $0xffff;
	[tilespmem:s30+$0x0] =	vst v3;
	v9 =	vadd.f32 v16, v18  }
0x9c: {  	v2 =	vld.idx.msk [tilespmem:v13+s15+$0x0], $0xffff;
	[tilespmem:s30+$0x10] =	vst v8;
	v8 =	vadd.f32 v17, v1  }
0x9d: {  	v3 =	vld.idx.msk [tilespmem:v14+s15+$0x0], $0xffff;
	[tilespmem:s30+$0x20] =	vst v9  }
.Ltmp5:
0x9e: {  	v1 =	vld.idx.msk [tilespmem:v15+s15+$0x0], $0xffff;
	[tilespmem:s25+$0x20] =	vst v8;
	s25 =	smov.u32 s14;
	(pc) =	sbr.rel @p1 .LBB2_4-.Ltmp5, $4  }
0x9f: {  	v9 =	vld [tilespmem:s10+$0xFFFFFFC0]  }
0xa0: {  	v11 =	vld [tilespmem:s10+$0xFFFFFFD0]  }
0xa1: {  	v10 =	vld [tilespmem:s10+$0xFFFFFFE0]  }
0xa2: {  	s4 =	sadd.s32 $0x80, s4;
	v8 =	vld [tilespmem:s10+$0xFFFFFFF0]  }
0xa3: {  	v12 =	vld [tilespmem:s10+$0x0]  }
0xa4: {  	v61 =	vld [tilespmem:s2+$0x20];
	v4 =	vadd.f32 v9, v4  }
0xa5: {  	v60 =	vld [tilespmem:s10+$0x10];
	v5 =	vadd.f32 v11, v5  }
0xa6: {  	[tilespmem:s14+$0xFFFFFFC0] =	vst v4;
	v62 =	vadd.f32 v10, v6  }
0xa7: {  	[tilespmem:s14+$0xFFFFFFD0] =	vst v5;
	v63 =	vadd.f32 v8, v7  }
0xa8: {  	[tilespmem:s14+$0xFFFFFFE0] =	vst v62;
	v2 =	vadd.f32 v12, v2  }
0xa9: {  	v1 =	vadd.f32 v61, v1;
	[tilespmem:s14+$0xFFFFFFF0] =	vst v63  }
0xaa: {  	v3 =	vadd.f32 v60, v3;
	[tilespmem:s14+$0x0] =	vst v2  }
0xab: {  	s29 =	simm.s32 $0xDD00;
	[tilespmem:s25+$0x20] =	vst v1;
	s25 =	smov.u32 s5;
	s5 =	smov.u32 s19  }
0xac: {  	[tilespmem:s14+$0x10] =	vst v3;
	s19 =	smov.u32 s20;
	s20 =	smov.u32 s24;
	s24 =	simm.s32 $0x8E80  }
.LBB2_6:
0xad: {  	v1 =	vld [tilespmem:s31+$0x0];
	_ =	sdelay $0x4  }
0xae: {  	v1 =	vsub.s32 v1, v0;
	_ =	sdelay $0x3  }
0xaf: {  	v3 =	vld [tilespmem:s0+$0x0]  }
0xb0: {  	v2 =	vld.idx.msk [tilespmem:v1+s6+$0x0], $0xffff;
	_ =	sdelay $0x4  }
0xb1: {  	v2 =	vadd.f32 v3, v2;
	_ =	sdelay $0x1  }
0xb2: {  	[tilespmem:s3+$0x0] =	vst v2  }
0xb3: {  	v1 =	vld.idx.msk [tilespmem:v1+s15+$0x0], $0xffff  }
0xb4: {  	v2 =	vld [tilespmem:s12+$0x0]  }
0xb5: {  	s13 =	sadd.s32 $0x10, s13  }
0xb6: {  	p1 =	slt.u32 s13, $0x4E10  }
.Ltmp6:
0xb7: {  	_ = 	snop;
	(pc) =	sbr.rel @p1 .LBB2_6-.Ltmp6, $4  }
0xb8: {  	_ = 	snop  }
0xb9: {  	v1 =	vadd.f32 v2, v1  }
0xba: {  	s0 =	sadd.s32 $0x10, s0;
	s31 =	sadd.s32 $0x10, s31  }
0xbb: {  	s3 =	sadd.s32 $0x10, s3;
	s12 =	sadd.s32 $0x10, s12;
	[tilespmem:s11+$0x0] =	vst v1;
	s11 =	sadd.s32 $0x10, s11  }
.Ltmp7:
0xbc: {  	_ = 	snop;
	(pc) =	sbr.rel .LBB2_11-.Ltmp7, $1  }
0xbd: {  	_ =	sdelay $0x3  }
.LBB2_7:
0xbe: {  	s0 =	simm.s32 $0x4E20  }
0xbf: {  	[tilespmem:s22], [sflag:$0x1] =	stream.indirect.gather [hbm4b:s8+s0], $0x1, s18, s0, $0xb8;
	[tilespmem:$0x1C900] =	vst v63  }
0xc0: {  	_ =	swait.ge [sflag:s16], $0x4E20  }
0xc1: {  	[sflag:s16] =	ssyncset.done $0x0  }
0xc2: {  	[sflag:s16] =	ssyncadd.s32 $0xFFFFB1E0  }
0xc3: {  	[tilespmem:s23], [sflag:$0x2] =	stream.indirect.gather [hbm4b:s9+s0], $0x1, s18, s0, $0xb8;
	[tilespmem:$0x1C900] =	vst v63  }
0xc4: {  	_ =	swait.ge [sflag:s17], $0x4E20  }
0xc5: {  	[sflag:s17] =	ssyncset.done $0x0  }
0xc6: {  	s1 =	simm.s32 $0x12BC0;
	[sflag:s17] =	ssyncadd.s32 $0xFFFFB1E0  }
0xc7: {  	s0 =	simm.s32 $0x8EC0;
	v1 =	vld [tilespmem:s1+$0x30]  }
0xc8: {  	v2 =	vld [tilespmem:s0+$0x30]  }
0xc9: {  	v3 =	vld [tilespmem:s0+$0xFFFFFFC0]  }
0xca: {  	v4 =	vld [tilespmem:s1+$0xFFFFFFD0]  }
0xcb: {  	v5 =	vld [tilespmem:s0+$0xFFFFFFD0]  }
0xcc: {  	v6 =	vld [tilespmem:s1+$0xFFFFFFE0]  }
0xcd: {  	v7 =	vld [tilespmem:s0+$0xFFFFFFE0]  }
0xce: {  	v8 =	vld [tilespmem:s0+$0xFFFFFFF0]  }
0xcf: {  	v10 =	vld [tilespmem:s1+$0x0]  }
0xd0: {  	v11 =	vld [tilespmem:s0+$0x0]  }
0xd1: {  	v12 =	vld [tilespmem:s1+$0x10]  }
0xd2: {  	v13 =	vld [tilespmem:s0+$0x10]  }
0xd3: {  	v14 =	vld [tilespmem:s0+$0x20];
	v1 =	vadd.f32 v2, v1  }
0xd4: {  	v2 =	vld [tilespmem:s1+$0xFFFFFFF0];
	v4 =	vadd.f32 v5, v4  }
0xd5: {  	v5 =	vld [tilespmem:s1+$0x20];
	[tilespmem:s1+$0x30] =	vst v1  }
0xd6: {  	s3 =	simm.s32 $0x17A40;
	[tilespmem:s1+$0xFFFFFFD0] =	vst v4;
	v4 =	vadd.f32 v7, v6;
	v6 =	vld [tilespmem:s1+$0xFFFFFFC0]  }
0xd7: {  	s10 =	simm.s32 $0xDD40;
	v1 =	vld [tilespmem:s3+$0x30]  }
0xd8: {  	v9 =	vld [tilespmem:s10+$0x30]  }
0xd9: {  	v7 =	vld [tilespmem:s3+$0xFFFFFFD0]  }
0xda: {  	[tilespmem:s1+$0xFFFFFFE0] =	vst v4;
	v4 =	vld [tilespmem:s10+$0xFFFFFFD0];
	v2 =	vadd.f32 v8, v2  }
0xdb: {  	v8 =	vld [tilespmem:s3+$0xFFFFFFE0]  }
0xdc: {  	v60 =	vld [tilespmem:s10+$0xFFFFFFE0];
	[tilespmem:s1+$0xFFFFFFF0] =	vst v2;
	v2 =	vadd.f32 v11, v10  }
0xdd: {  	v3 =	vadd.f32 v3, v6;
	v6 =	vld [tilespmem:s3+$0xFFFFFFF0]  }
0xde: {  	v61 =	vld [tilespmem:s10+$0xFFFFFFF0];
	[tilespmem:s1+$0x0] =	vst v2  }
0xdf: {  	v2 =	vadd.f32 v9, v1;
	[tilespmem:s1+$0xFFFFFFC0] =	vst v3;
	v1 =	vld [tilespmem:s3+$0x0]  }
0xe0: {  	v3 =	vadd.f32 v13, v12;
	v62 =	vld [tilespmem:s3+$0xFFFFFFC0]  }
0xe1: {  	v4 =	vadd.f32 v4, v7;
	v63 =	vld [tilespmem:s10+$0xFFFFFFC0];
	[tilespmem:s3+$0x30] =	vst v2  }
0xe2: {  	v2 =	vadd.f32 v14, v5;
	[tilespmem:s1+$0x10] =	vst v3;
	v3 =	vld [tilespmem:s10+$0x0]  }
0xe3: {  	v7 =	vadd.f32 v60, v8;
	[tilespmem:s3+$0xFFFFFFD0] =	vst v4;
	v5 =	vld [tilespmem:s10+$0x10]  }
0xe4: {  	s4 =	simm.s32 $0x0;
	[tilespmem:s1+$0x20] =	vst v2;
	v2 =	vld [tilespmem:s3+$0x10];
	v6 =	vadd.f32 v61, v6  }
0xe5: {  	s11 =	simm.s32 $0x17980;
	s12 =	simm.s32 $0x4DF0;
	s2 =	simm.s32 $0x12B00;
	[tilespmem:s3+$0xFFFFFFE0] =	vst v7;
	v4 =	vld [tilespmem:s3+$0x20]  }
0xe6: {  	s13 =	simm.s32 $0x1C800;
	s14 =	simm.s32 $0x12C40;
	s1 =	simm.s32 $0xDC80;
	[tilespmem:s3+$0xFFFFFFF0] =	vst v6;
	v7 =	vadd.f32 v63, v62;
	v6 =	vld [tilespmem:s10+$0x20]  }
.LBB2_8:
0xe7: {  	v8 =	vld [tilespmem:s14+$0x30];
	v1 =	vadd.f32 v3, v1;
	s0 =	sadd.s32 $0x80, s0  }
0xe8: {  	v3 =	vld [tilespmem:s0+$0x30];
	[tilespmem:s3+$0xFFFFFFC0] =	vst v7  }
0xe9: {  	s4 =	sadd.s32 $0x80, s4;
	v7 =	vld [tilespmem:s0+$0xFFFFFFC0];
	[tilespmem:s3+$0x0] =	vst v1;
	v1 =	vadd.f32 v5, v2  }
0xea: {  	p1 =	slt.u32 s4, $0x4D80;
	v2 =	vld [tilespmem:s14+$0xFFFFFFD0]  }
0xeb: {  	v5 =	vld [tilespmem:s0+$0xFFFFFFD0];
	[tilespmem:s3+$0x10] =	vst v1;
	v1 =	vadd.f32 v6, v4  }
0xec: {  	v4 =	vld [tilespmem:s14+$0xFFFFFFE0]  }
0xed: {  	v6 =	vld [tilespmem:s0+$0xFFFFFFE0];
	v3 =	vadd.f32 v3, v8;
	[tilespmem:s3+$0x20] =	vst v1  }
0xee: {  	v1 =	vld [tilespmem:s14+$0xFFFFFFF0]  }
0xef: {  	s3 =	sadd.s32 $0x80, s3;
	v8 =	vld [tilespmem:s0+$0xFFFFFFF0];
	[tilespmem:s14+$0x30] =	vst v3  }
0xf0: {  	s10 =	sadd.s32 $0x80, s10;
	v2 =	vadd.f32 v5, v2;
	v3 =	vld [tilespmem:s3+$0x30]  }
0xf1: {  	v5 =	vld [tilespmem:s10+$0x30]  }
0xf2: {  	[tilespmem:s14+$0xFFFFFFD0] =	vst v2;
	v2 =	vadd.f32 v6, v4;
	v4 =	vld [tilespmem:s14+$0x0]  }
0xf3: {  	v6 =	vld [tilespmem:s0+$0x0]  }
0xf4: {  	[tilespmem:s14+$0xFFFFFFE0] =	vst v2;
	v1 =	vadd.f32 v8, v1;
	v2 =	vld [tilespmem:s14+$0x10]  }
0xf5: {  	v8 =	vld [tilespmem:s0+$0x10]  }
0xf6: {  	[tilespmem:s14+$0xFFFFFFF0] =	vst v1;
	v1 =	vld [tilespmem:s14+$0x20];
	v3 =	vadd.f32 v5, v3  }
0xf7: {  	v5 =	vld [tilespmem:s0+$0x20]  }
0xf8: {  	v9 =	vld [tilespmem:s14+$0xFFFFFFC0];
	v4 =	vadd.f32 v6, v4;
	[tilespmem:s3+$0x30] =	vst v3  }
0xf9: {  	v3 =	vld [tilespmem:s3+$0xFFFFFFD0]  }
0xfa: {  	v6 =	vld [tilespmem:s10+$0xFFFFFFD0];
	[tilespmem:s14+$0x0] =	vst v4;
	v2 =	vadd.f32 v8, v2  }
0xfb: {  	v4 =	vld [tilespmem:s3+$0xFFFFFFE0]  }
0xfc: {  	v8 =	vld [tilespmem:s10+$0xFFFFFFE0];
	[tilespmem:s14+$0x10] =	vst v2;
	v1 =	vadd.f32 v5, v1  }
0xfd: {  	v2 =	vadd.f32 v7, v9;
	v5 =	vld [tilespmem:s3+$0xFFFFFFF0]  }
0xfe: {  	v7 =	vld [tilespmem:s10+$0xFFFFFFF0];
	[tilespmem:s14+$0x20] =	vst v1  }
0xff: {  	[tilespmem:s14+$0xFFFFFFC0] =	vst v2;
	v2 =	vadd.f32 v6, v3;
	v1 =	vld [tilespmem:s3+$0x0]  }
0x100: {  	v6 =	vld [tilespmem:s3+$0xFFFFFFC0]  }
0x101: {  	v9 =	vld [tilespmem:s10+$0xFFFFFFC0];
	[tilespmem:s3+$0xFFFFFFD0] =	vst v2;
	v2 =	vadd.f32 v8, v4  }
.Ltmp8:
0x102: {  	v3 =	vld [tilespmem:s10+$0x0];
	(pc) =	sbr.rel @p1 .LBB2_8-.Ltmp8, $4  }
0x103: {  	[tilespmem:s3+$0xFFFFFFE0] =	vst v2;
	v4 =	vadd.f32 v7, v5;
	v2 =	vld [tilespmem:s3+$0x10]  }
0x104: {  	v5 =	vld [tilespmem:s10+$0x10]  }
0x105: {  	[tilespmem:s3+$0xFFFFFFF0] =	vst v4;
	v4 =	vld [tilespmem:s3+$0x20]  }
0x106: {  	s14 =	sadd.s32 $0x80, s14;
	v7 =	vadd.f32 v9, v6;
	v6 =	vld [tilespmem:s10+$0x20]  }
0x107: {  	_ =	sdelay $0x1  }
0x108: {  	v1 =	vadd.f32 v3, v1  }
0x109: {  	[tilespmem:s3+$0xFFFFFFC0] =	vst v7;
	v2 =	vadd.f32 v5, v2  }
0x10a: {  	[tilespmem:s3+$0x0] =	vst v1;
	v1 =	vadd.f32 v6, v4  }
0x10b: {  	[tilespmem:s3+$0x10] =	vst v2  }
0x10c: {  	[tilespmem:s3+$0x20] =	vst v1  }
.LBB2_10:
0x10d: {  	v1 =	vld [tilespmem:s11+$0x0]  }
0x10e: {  	v2 =	vld [tilespmem:s1+$0x0];
	_ =	sdelay $0x4  }
0x10f: {  	v1 =	vadd.f32 v2, v1;
	_ =	sdelay $0x1  }
0x110: {  	[tilespmem:s11+$0x0] =	vst v1  }
0x111: {  	v1 =	vld [tilespmem:s13+$0x0]  }
0x112: {  	v2 =	vld [tilespmem:s2+$0x0]  }
0x113: {  	s12 =	sadd.s32 $0x10, s12  }
0x114: {  	p1 =	slt.u32 s12, $0x4E10  }
.Ltmp9:
0x115: {  	_ = 	snop;
	(pc) =	sbr.rel @p1 .LBB2_10-.Ltmp9, $4  }
0x116: {  	_ = 	snop  }
0x117: {  	v1 =	vadd.f32 v2, v1  }
0x118: {  	s1 =	sadd.s32 $0x10, s1  }
0x119: {  	s11 =	sadd.s32 $0x10, s11;
	s2 =	sadd.s32 $0x10, s2;
	[tilespmem:s13+$0x0] =	vst v1;
	s13 =	sadd.s32 $0x10, s13  }
.Ltmp10:
0x11a: {  	_ = 	snop;
	(pc) =	sbr.rel .LBB2_11-.Ltmp10, $1  }
0x11b: {  	_ =	sdelay $0x3  }
.LBB2_13:
0x11c: {  	_ =	sfence.sel $0x180000  }
0x11d: {  	[bflag:$0x0] =	sbarrier.arrive $0xFFFF  }
0x11e: {  	_ =	strace $0x90000047  }
0x11f: {  	s0 =	stileid.u32;
	[bflag:$0x2] =	sbarrier.arrive $0xFFFF  }
0x120: {  	p0 =	sne.s32 s0, $0x0;
	s0 =	rddreg [dreg:$0x5]  }
0x121: {  	s0 =	sadd.s32 @!p0 $0x100000, s0  }
0x122: {  	[sflag:s0] =	ssyncadd.tile.s32 @!p0 $0x1;
	_ =	shalt  }
.Lfunc_end2:
_tile_overlayer_lowered:
.L_overlay_start_2:
0x123: {  	(tag) =	ssettag $0x2  }
0x124: {  	s0 =	rddreg [dreg:$0x0];
	s2 =	stileid.u32  }
0x125: {  	s1 =	rddreg [dreg:$0x1];
	p0 =	sne.s32 s2, $0x0  }
0x126: {  	s3 =	rddreg [dreg:$0x2];
	[bflag:$0x3] =	sbarrier.arrive $0xFFFF;
	s2 =	simm.s32 @!p0 $0x1C04  }
0x127: {  	[timem:s3], [sflag:s2] =	dma.local @!p0 [hbm:s0], s1  }
0x128: {  	s0 =	simm.s32 @!p0 $0x4  }
0x129: {  	_ =	swait.ge @!p0 [sflag:s0], s1  }
0x12a: {  	s1 =	ssub.s32 @!p0 $0x0, s1;
	[sflag:s0] =	ssyncset.done @!p0 $0x0  }
0x12b: {  	[sflag:s0] =	ssyncadd.s32 @!p0 s1  }
0x12c: {  	[bflag:$0x3] =	sbarrier.arrive $0xFFFF  }
0x12d: {  	_ =	shalt  }

</sc_bundles>
